<compile_context>
chip_gen: v7x
topology: tpu7x:2x2x1
jax: 0.10.2.dev20260603
libtpu: 0.0.44.dev20260713+nightly
codegen_flags: <defaults>
</compile_context>

<pallas_src>
import jax
import jax.numpy as jnp
from jax import lax
from jax.experimental import pallas as pl
from jax.experimental.pallas import tpu as pltpu
from jax.experimental.pallas import tpu_sc as plsc

_N, _S, _C = 16384, 50, 128
_NW = 32
_ROWS_W = _N // _NW
_XWALL = _ROWS_W * _S
_CH = 8
_CHUNKS = _ROWS_W // _CH
_XW = _CH * _S
_BUFW = _XW * _C


def _sc_onehot(x_hbm, out_hbm, xall, bufa, bufb, sema, semb):
    wid = lax.axis_index("s") * 2 + lax.axis_index("c")
    base = wid * _ROWS_W

    zero = jnp.zeros((16,), jnp.int32)
    one = jnp.ones((16,), jnp.int32)

    pltpu.sync_copy(x_hbm.at[pl.ds(wid * _XWALL, _XWALL)], xall)

    def zinit(j, carry):
        for k in range(_C // 16):
            bufa[j, pl.ds(k * 16, 16)] = zero
            bufb[j, pl.ds(k * 16, 16)] = zero
        return carry

    lax.fori_loop(0, _XW, zinit, 0)

    def scatter(buf, c, val):
        x0 = c * _XW

        def body(b, carry):
            vals = xall[pl.ds(x0 + b * 16, 16)]
            pos = lax.iota(jnp.int32, 16) + b * 16
            plsc.store_scatter(buf, [pos, vals], val)
            return carry

        lax.fori_loop(0, _XW // 16, body, 0)

    def out_copy(c, buf, sem):
        row0 = base + c * _CH
        return pltpu.make_async_copy(
            buf.reshape(_CH, _S, _C), out_hbm.at[pl.ds(row0, _CH)], sem)

    bufs = ((bufa, sema), (bufb, semb))

    for k, (buf, sem) in enumerate(bufs):
        scatter(buf, k, one)
        out_copy(k, buf, sem).start()

    def pair(p, carry):
        for k, (buf, sem) in enumerate(bufs):
            c = 2 * p + k
            out_copy(c - 2, buf, sem).wait()
            scatter(buf, c - 2, zero)
            scatter(buf, c, one)
            out_copy(c, buf, sem).start()
        return carry

    lax.fori_loop(1, _CHUNKS // 2, pair, 0)

    for k, (buf, sem) in enumerate(bufs):
        out_copy(_CHUNKS - 2 + k, buf, sem).wait()


def kernel(x):
    n, s = x.shape
    xf = x.reshape(n * s)
    mesh = plsc.VectorSubcoreMesh(core_axis_name="c", subcore_axis_name="s")
    run = pl.kernel(
        _sc_onehot,
        out_type=jax.ShapeDtypeStruct((n, s, _C), jnp.int32),
        mesh=mesh,
        compiler_params=pltpu.CompilerParams(needs_layout_passes=False),
        scratch_types=[
            pltpu.VMEM((_XWALL,), jnp.int32),
            pltpu.VMEM((_XW, _C), jnp.int32),
            pltpu.VMEM((_XW, _C), jnp.int32),
            pltpu.SemaphoreType.DMA,
            pltpu.SemaphoreType.DMA,
        ],
    )
    return run(xf)

# --- scband reference (transcript-rebuilt; emitter-appended) ---
"""Pipeline reference for scband-one-hot-encoding-25469156065585 (READ-ONLY COPY).

The authoritative reference and input builder live on the scoring server;
editing this copy changes nothing except your own understanding.
"""

import jax, jax.numpy as jnp
import numpy as np

NUM_TYPES = 128

def setup_inputs(seed: int = 0) -> dict:
    key = jax.random.key(seed)
    x = jax.random.randint(key, (16384, 50), 0, NUM_TYPES, dtype=jnp.int64)
    return {"x": x}

def reference(x) -> jnp.ndarray:
    # Faithful translation of torch.nn.functional.one_hot(x, num_classes=NUM_TYPES).
    # torch returns int64; we emit int32 one-hot (same values 0/1) via comparison
    # against arange, which lowers to a pure elementwise/broadcast op.
    classes = jnp.arange(NUM_TYPES, dtype=x.dtype)
    out = (x[..., None] == classes).astype(jnp.int32)
    return out

if __name__ == "__main__":
    import jax
    _d = setup_inputs()
    print(jax.jit(kernel)(*tuple(_d.values())))

</pallas_src>

<mosaic_0001>
#map = affine_map<(d0, d1) -> (0)>
#map1 = affine_map<(d0, d1) -> (0, 0, 0)>
module attributes {stable_mosaic.version = 14 : i64} {
  func.func @_sc_onehot(%arg0: i32, %arg1: i32, %arg2: memref<819200xi32, #tpu.memory_space<hbm>>, %arg3: memref<16384x50x128xi32, #tpu.memory_space<hbm>>, %arg4: memref<25600xi32, #tpu.memory_space<vmem>>, %arg5: memref<400x128xi32, #tpu.memory_space<vmem>>, %arg6: memref<400x128xi32, #tpu.memory_space<vmem>>, %arg7: memref<!tpu.dma_semaphore, #tpu.memory_space<semaphore_mem>>, %arg8: memref<!tpu.dma_semaphore, #tpu.memory_space<semaphore_mem>>) attributes {dimension_semantics = [#tpu.dimension_semantics<core_parallel>, #tpu.dimension_semantics<subcore_parallel>], iteration_bounds = array<i64: 2, 16>, scalar_prefetch = 0 : i64, scratch_operands = 5 : i64, tpu.core_type = #tpu.core_type<sc_vector_subcore>, window_params = [{transform_indices = #map}, {transform_indices = #map1}]} {
    %mul3A = arith.constant 2 : i32
    %mul3A_0 = arith.muli %arg1, %mul3A : i32
    %add3A = arith.addi %mul3A_0, %arg0 : i32
    %mul3A_1 = arith.constant 512 : i32
    %mul3A_2 = arith.muli %add3A, %mul3A_1 : i32
    %broadcast_in_dim3A = arith.constant 0 : i32
    %broadcast_in_dim3A_3 = vector.broadcast %broadcast_in_dim3A : i32 to vector<16xi32>
    %broadcast_in_dim3A_4 = arith.constant 1 : i32
    %broadcast_in_dim3A_5 = vector.broadcast %broadcast_in_dim3A_4 : i32 to vector<16xi32>
    %mul3A_6 = arith.constant 25600 : i32
    %mul3A_7 = arith.muli %add3A, %mul3A_6 : i32
    "tpu.region"() ({
      %run_scoped3A = tpu.sem_alloc : memref<!tpu.dma_semaphore, #tpu.memory_space<semaphore_mem>>
      %dma_start3A_69 = tpu.memref_slice %arg2[%mul3A_7] : memref<819200xi32, #tpu.memory_space<hbm>> -> memref<25600xi32, #tpu.memory_space<hbm>>
      %dma_start3A_70 = tpu.memref_slice %arg2[%mul3A_7] : memref<819200xi32, #tpu.memory_space<hbm>> -> memref<25600xi32, #tpu.memory_space<hbm>>
      tpu.enqueue_dma source(%dma_start3A_70 : memref<25600xi32, #tpu.memory_space<hbm>>) target(%arg4 : memref<25600xi32, #tpu.memory_space<vmem>>) target_semaphore(%run_scoped3A : memref<!tpu.dma_semaphore, #tpu.memory_space<semaphore_mem>>)
      %dma_wait3A_71 = tpu.memref_slice %arg2[%mul3A_7] : memref<819200xi32, #tpu.memory_space<hbm>> -> memref<25600xi32, #tpu.memory_space<hbm>>
      %dma_wait3A_72 = tpu.memref_slice %arg2[%mul3A_7] : memref<819200xi32, #tpu.memory_space<hbm>> -> memref<25600xi32, #tpu.memory_space<hbm>>
      tpu.wait_dma2 semaphore(%run_scoped3A : memref<!tpu.dma_semaphore, #tpu.memory_space<semaphore_mem>>) src(%dma_wait3A_72 : memref<25600xi32, #tpu.memory_space<hbm>>) dst(%arg4 : memref<25600xi32, #tpu.memory_space<vmem>>)
      tpu.yield
    }) : () -> ()
    %scan3A = arith.constant 0 : i32
    %scan3A_8 = arith.constant 0 : i32
    %scan3A_9 = arith.constant 400 : i32
    %scan3A_10 = arith.addi %scan3A_8, %scan3A_9 : i32
    %scan3A_11 = arith.constant 1 : i32
    scf.for %scan3A_69 = %scan3A_8 to %scan3A_10 step %scan3A_11  : i32 {
      %swap3A = arith.index_cast %scan3A_69 : i32 to index
      %swap3A_70 = arith.constant 0 : index
      %swap3A_71 = tpu.vector_load %arg5[%swap3A, %swap3A_70] {strides = array<i32>} : memref<400x128xi32, #tpu.memory_space<vmem>>, vector<16xi32>,
      tpu.vector_store %arg5[%swap3A, %swap3A_70], %broadcast_in_dim3A_3 {strides = array<i32>} : memref<400x128xi32, #tpu.memory_space<vmem>>, vector<16xi32>,
      %swap3A_72 = arith.index_cast %scan3A_69 : i32 to index
      %swap3A_73 = arith.constant 0 : index
      %swap3A_74 = tpu.vector_load %arg6[%swap3A_72, %swap3A_73] {strides = array<i32>} : memref<400x128xi32, #tpu.memory_space<vmem>>, vector<16xi32>,
      tpu.vector_store %arg6[%swap3A_72, %swap3A_73], %broadcast_in_dim3A_3 {strides = array<i32>} : memref<400x128xi32, #tpu.memory_space<vmem>>, vector<16xi32>,
      %swap3A_75 = arith.index_cast %scan3A_69 : i32 to index
      %swap3A_76 = arith.constant 16 : index
      %swap3A_77 = tpu.vector_load %arg5[%swap3A_75, %swap3A_76] {strides = array<i32>} : memref<400x128xi32, #tpu.memory_space<vmem>>, vector<16xi32>,
      tpu.vector_store %arg5[%swap3A_75, %swap3A_76], %broadcast_in_dim3A_3 {strides = array<i32>} : memref<400x128xi32, #tpu.memory_space<vmem>>, vector<16xi32>,
      %swap3A_78 = arith.index_cast %scan3A_69 : i32 to index
      %swap3A_79 = arith.constant 16 : index
      %swap3A_80 = tpu.vector_load %arg6[%swap3A_78, %swap3A_79] {strides = array<i32>} : memref<400x128xi32, #tpu.memory_space<vmem>>, vector<16xi32>,
      tpu.vector_store %arg6[%swap3A_78, %swap3A_79], %broadcast_in_dim3A_3 {strides = array<i32>} : memref<400x128xi32, #tpu.memory_space<vmem>>, vector<16xi32>,
      %swap3A_81 = arith.index_cast %scan3A_69 : i32 to index
      %swap3A_82 = arith.constant 32 : index
      %swap3A_83 = tpu.vector_load %arg5[%swap3A_81, %swap3A_82] {strides = array<i32>} : memref<400x128xi32, #tpu.memory_space<vmem>>, vector<16xi32>,
      tpu.vector_store %arg5[%swap3A_81, %swap3A_82], %broadcast_in_dim3A_3 {strides = array<i32>} : memref<400x128xi32, #tpu.memory_space<vmem>>, vector<16xi32>,
      %swap3A_84 = arith.index_cast %scan3A_69 : i32 to index
      %swap3A_85 = arith.constant 32 : index
      %swap3A_86 = tpu.vector_load %arg6[%swap3A_84, %swap3A_85] {strides = array<i32>} : memref<400x128xi32, #tpu.memory_space<vmem>>, vector<16xi32>,
      tpu.vector_store %arg6[%swap3A_84, %swap3A_85], %broadcast_in_dim3A_3 {strides = array<i32>} : memref<400x128xi32, #tpu.memory_space<vmem>>, vector<16xi32>,
      %swap3A_87 = arith.index_cast %scan3A_69 : i32 to index
      %swap3A_88 = arith.constant 48 : index
      %swap3A_89 = tpu.vector_load %arg5[%swap3A_87, %swap3A_88] {strides = array<i32>} : memref<400x128xi32, #tpu.memory_space<vmem>>, vector<16xi32>,
      tpu.vector_store %arg5[%swap3A_87, %swap3A_88], %broadcast_in_dim3A_3 {strides = array<i32>} : memref<400x128xi32, #tpu.memory_space<vmem>>, vector<16xi32>,
      %swap3A_90 = arith.index_cast %scan3A_69 : i32 to index
      %swap3A_91 = arith.constant 48 : index
      %swap3A_92 = tpu.vector_load %arg6[%swap3A_90, %swap3A_91] {strides = array<i32>} : memref<400x128xi32, #tpu.memory_space<vmem>>, vector<16xi32>,
      tpu.vector_store %arg6[%swap3A_90, %swap3A_91], %broadcast_in_dim3A_3 {strides = array<i32>} : memref<400x128xi32, #tpu.memory_space<vmem>>, vector<16xi32>,
      %swap3A_93 = arith.index_cast %scan3A_69 : i32 to index
      %swap3A_94 = arith.constant 64 : index
      %swap3A_95 = tpu.vector_load %arg5[%swap3A_93, %swap3A_94] {strides = array<i32>} : memref<400x128xi32, #tpu.memory_space<vmem>>, vector<16xi32>,
      tpu.vector_store %arg5[%swap3A_93, %swap3A_94], %broadcast_in_dim3A_3 {strides = array<i32>} : memref<400x128xi32, #tpu.memory_space<vmem>>, vector<16xi32>,
      %swap3A_96 = arith.index_cast %scan3A_69 : i32 to index
      %swap3A_97 = arith.constant 64 : index
      %swap3A_98 = tpu.vector_load %arg6[%swap3A_96, %swap3A_97] {strides = array<i32>} : memref<400x128xi32, #tpu.memory_space<vmem>>, vector<16xi32>,
      tpu.vector_store %arg6[%swap3A_96, %swap3A_97], %broadcast_in_dim3A_3 {strides = array<i32>} : memref<400x128xi32, #tpu.memory_space<vmem>>, vector<16xi32>,
      %swap3A_99 = arith.index_cast %scan3A_69 : i32 to index
      %swap3A_100 = arith.constant 80 : index
      %swap3A_101 = tpu.vector_load %arg5[%swap3A_99, %swap3A_100] {strides = array<i32>} : memref<400x128xi32, #tpu.memory_space<vmem>>, vector<16xi32>,
      tpu.vector_store %arg5[%swap3A_99, %swap3A_100], %broadcast_in_dim3A_3 {strides = array<i32>} : memref<400x128xi32, #tpu.memory_space<vmem>>, vector<16xi32>,
      %swap3A_102 = arith.index_cast %scan3A_69 : i32 to index
      %swap3A_103 = arith.constant 80 : index
      %swap3A_104 = tpu.vector_load %arg6[%swap3A_102, %swap3A_103] {strides = array<i32>} : memref<400x128xi32, #tpu.memory_space<vmem>>, vector<16xi32>,
      tpu.vector_store %arg6[%swap3A_102, %swap3A_103], %broadcast_in_dim3A_3 {strides = array<i32>} : memref<400x128xi32, #tpu.memory_space<vmem>>, vector<16xi32>,
      %swap3A_105 = arith.index_cast %scan3A_69 : i32 to index
      %swap3A_106 = arith.constant 96 : index
      %swap3A_107 = tpu.vector_load %arg5[%swap3A_105, %swap3A_106] {strides = array<i32>} : memref<400x128xi32, #tpu.memory_space<vmem>>, vector<16xi32>,
      tpu.vector_store %arg5[%swap3A_105, %swap3A_106], %broadcast_in_dim3A_3 {strides = array<i32>} : memref<400x128xi32, #tpu.memory_space<vmem>>, vector<16xi32>,
      %swap3A_108 = arith.index_cast %scan3A_69 : i32 to index
      %swap3A_109 = arith.constant 96 : index
      %swap3A_110 = tpu.vector_load %arg6[%swap3A_108, %swap3A_109] {strides = array<i32>} : memref<400x128xi32, #tpu.memory_space<vmem>>, vector<16xi32>,
      tpu.vector_store %arg6[%swap3A_108, %swap3A_109], %broadcast_in_dim3A_3 {strides = array<i32>} : memref<400x128xi32, #tpu.memory_space<vmem>>, vector<16xi32>,
      %swap3A_111 = arith.index_cast %scan3A_69 : i32 to index
      %swap3A_112 = arith.constant 112 : index
      %swap3A_113 = tpu.vector_load %arg5[%swap3A_111, %swap3A_112] {strides = array<i32>} : memref<400x128xi32, #tpu.memory_space<vmem>>, vector<16xi32>,
      tpu.vector_store %arg5[%swap3A_111, %swap3A_112], %broadcast_in_dim3A_3 {strides = array<i32>} : memref<400x128xi32, #tpu.memory_space<vmem>>, vector<16xi32>,
      %swap3A_114 = arith.index_cast %scan3A_69 : i32 to index
      %swap3A_115 = arith.constant 112 : index
      %swap3A_116 = tpu.vector_load %arg6[%swap3A_114, %swap3A_115] {strides = array<i32>} : memref<400x128xi32, #tpu.memory_space<vmem>>, vector<16xi32>,
      tpu.vector_store %arg6[%swap3A_114, %swap3A_115], %broadcast_in_dim3A_3 {strides = array<i32>} : memref<400x128xi32, #tpu.memory_space<vmem>>, vector<16xi32>,
    }
    %scan3A_12 = arith.constant 400 : i32
    %scan3A_13 = arith.constant 0 : i32
    %scan3A_14 = arith.constant 0 : i32
    %scan3A_15 = arith.constant 25 : i32
    %scan3A_16 = arith.addi %scan3A_14, %scan3A_15 : i32
    %scan3A_17 = arith.constant 1 : i32
    scf.for %scan3A_69 = %scan3A_14 to %scan3A_16 step %scan3A_17  : i32 {
      %mul3A_70 = arith.constant 16 : i32
      %mul3A_71 = arith.muli %scan3A_69, %mul3A_70 : i32
      %add3A_72 = arith.constant 0 : i32
      %add3A_73 = arith.addi %add3A_72, %mul3A_71 : i32
      %get3A = arith.index_cast %add3A_73 : i32 to index
      %get3A_74 = tpu.vector_load %arg4[%get3A] {strides = array<i32>} : memref<25600xi32, #tpu.memory_space<vmem>>, vector<16xi32>,
      %iota3A = tpu.iota {dimensions = array<i32: 0>} : vector<16xi32>
      %mul3A_75 = arith.constant 16 : i32
      %mul3A_76 = arith.muli %scan3A_69, %mul3A_75 : i32
      %add3A_77 = vector.broadcast %mul3A_76 : i32 to vector<16xi32>
      %add3A_78 = arith.addi %iota3A, %add3A_77 : vector<16xi32>
      tpu.vector_store_idx %arg5[%add3A_78, %get3A_74], %broadcast_in_dim3A_5 : memref<400x128xi32, #tpu.memory_space<vmem>>[vector<16xi32>, vector<16xi32>], vector<16xi32>,
    }
    %scan3A_18 = arith.constant 25 : i32
    %add3A_19 = arith.constant 0 : i32
    %add3A_20 = arith.addi %mul3A_2, %add3A_19 : i32
    %dma_start3A = tpu.memref_reshape %arg5 : memref<400x128xi32, #tpu.memory_space<vmem>> -> memref<8x50x128xi32, #tpu.memory_space<vmem>>
    %dma_start3A_21 = arith.constant 0 : i32
    %dma_start3A_22 = arith.constant 0 : i32
    %dma_start3A_23 = tpu.memref_slice %arg3[%add3A_20, %dma_start3A_21, %dma_start3A_22] : memref<16384x50x128xi32, #tpu.memory_space<hbm>> -> memref<8x50x128xi32, #tpu.memory_space<hbm>>
    %dma_start3A_24 = arith.constant 0 : i32
    %dma_start3A_25 = arith.constant 0 : i32
    %dma_start3A_26 = tpu.memref_slice %arg3[%add3A_20, %dma_start3A_24, %dma_start3A_25] : memref<16384x50x128xi32, #tpu.memory_space<hbm>> -> memref<8x50x128xi32, #tpu.memory_space<hbm>>
    %dma_start3A_27 = tpu.memref_reshape %arg5 : memref<400x128xi32, #tpu.memory_space<vmem>> -> memref<8x50x128xi32, #tpu.memory_space<vmem>>
    tpu.enqueue_dma source(%dma_start3A_27 : memref<8x50x128xi32, #tpu.memory_space<vmem>>) target(%dma_start3A_26 : memref<8x50x128xi32, #tpu.memory_space<hbm>>) target_semaphore(%arg7 : memref<!tpu.dma_semaphore, #tpu.memory_space<semaphore_mem>>)
    %scan3A_28 = arith.constant 0 : i32
    %scan3A_29 = arith.constant 0 : i32
    %scan3A_30 = arith.constant 25 : i32
    %scan3A_31 = arith.addi %scan3A_29, %scan3A_30 : i32
    %scan3A_32 = arith.constant 1 : i32
    scf.for %scan3A_69 = %scan3A_29 to %scan3A_31 step %scan3A_32  : i32 {
      %mul3A_70 = arith.constant 16 : i32
      %mul3A_71 = arith.muli %scan3A_69, %mul3A_70 : i32
      %add3A_72 = arith.constant 400 : i32
      %add3A_73 = arith.addi %add3A_72, %mul3A_71 : i32
      %get3A = arith.index_cast %add3A_73 : i32 to index
      %get3A_74 = tpu.vector_load %arg4[%get3A] {strides = array<i32>} : memref<25600xi32, #tpu.memory_space<vmem>>, vector<16xi32>,
      %iota3A = tpu.iota {dimensions = array<i32: 0>} : vector<16xi32>
      %mul3A_75 = arith.constant 16 : i32
      %mul3A_76 = arith.muli %scan3A_69, %mul3A_75 : i32
      %add3A_77 = vector.broadcast %mul3A_76 : i32 to vector<16xi32>
      %add3A_78 = arith.addi %iota3A, %add3A_77 : vector<16xi32>
      tpu.vector_store_idx %arg6[%add3A_78, %get3A_74], %broadcast_in_dim3A_5 : memref<400x128xi32, #tpu.memory_space<vmem>>[vector<16xi32>, vector<16xi32>], vector<16xi32>,
    }
    %scan3A_33 = arith.constant 25 : i32
    %add3A_34 = arith.constant 8 : i32
    %add3A_35 = arith.addi %mul3A_2, %add3A_34 : i32
    %dma_start3A_36 = tpu.memref_reshape %arg6 : memref<400x128xi32, #tpu.memory_space<vmem>> -> memref<8x50x128xi32, #tpu.memory_space<vmem>>
    %dma_start3A_37 = arith.constant 0 : i32
    %dma_start3A_38 = arith.constant 0 : i32
    %dma_start3A_39 = tpu.memref_slice %arg3[%add3A_35, %dma_start3A_37, %dma_start3A_38] : memref<16384x50x128xi32, #tpu.memory_space<hbm>> -> memref<8x50x128xi32, #tpu.memory_space<hbm>>
    %dma_start3A_40 = arith.constant 0 : i32
    %dma_start3A_41 = arith.constant 0 : i32
    %dma_start3A_42 = tpu.memref_slice %arg3[%add3A_35, %dma_start3A_40, %dma_start3A_41] : memref<16384x50x128xi32, #tpu.memory_space<hbm>> -> memref<8x50x128xi32, #tpu.memory_space<hbm>>
    %dma_start3A_43 = tpu.memref_reshape %arg6 : memref<400x128xi32, #tpu.memory_space<vmem>> -> memref<8x50x128xi32, #tpu.memory_space<vmem>>
    tpu.enqueue_dma source(%dma_start3A_43 : memref<8x50x128xi32, #tpu.memory_space<vmem>>) target(%dma_start3A_42 : memref<8x50x128xi32, #tpu.memory_space<hbm>>) target_semaphore(%arg8 : memref<!tpu.dma_semaphore, #tpu.memory_space<semaphore_mem>>)
    %scan3A_44 = arith.constant 0 : i32
    %scan3A_45 = arith.constant 1 : i32
    %scan3A_46 = arith.constant 31 : i32
    %scan3A_47 = arith.addi %scan3A_45, %scan3A_46 : i32
    %scan3A_48 = arith.constant 1 : i32
    scf.for %scan3A_69 = %scan3A_45 to %scan3A_47 step %scan3A_48  : i32 {
      %mul3A_70 = arith.constant 2 : i32
      %mul3A_71 = arith.muli %mul3A_70, %scan3A_69 : i32
      %add3A_72 = arith.constant 0 : i32
      %add3A_73 = arith.addi %mul3A_71, %add3A_72 : i32
      %sub3A = arith.constant 2 : i32
      %sub3A_74 = arith.subi %add3A_73, %sub3A : i32
      %mul3A_75 = arith.constant 8 : i32
      %mul3A_76 = arith.muli %sub3A_74, %mul3A_75 : i32
      %add3A_77 = arith.addi %mul3A_2, %mul3A_76 : i32
      %dma_wait3A_78 = tpu.memref_reshape %arg5 : memref<400x128xi32, #tpu.memory_space<vmem>> -> memref<8x50x128xi32, #tpu.memory_space<vmem>>
      %dma_wait3A_79 = arith.constant 0 : i32
      %dma_wait3A_80 = arith.constant 0 : i32
      %dma_wait3A_81 = tpu.memref_slice %arg3[%add3A_77, %dma_wait3A_79, %dma_wait3A_80] : memref<16384x50x128xi32, #tpu.memory_space<hbm>> -> memref<8x50x128xi32, #tpu.memory_space<hbm>>
      %dma_wait3A_82 = arith.constant 0 : i32
      %dma_wait3A_83 = arith.constant 0 : i32
      %dma_wait3A_84 = tpu.memref_slice %arg3[%add3A_77, %dma_wait3A_82, %dma_wait3A_83] : memref<16384x50x128xi32, #tpu.memory_space<hbm>> -> memref<8x50x128xi32, #tpu.memory_space<hbm>>
      %dma_wait3A_85 = tpu.memref_reshape %arg5 : memref<400x128xi32, #tpu.memory_space<vmem>> -> memref<8x50x128xi32, #tpu.memory_space<vmem>>
      tpu.wait_dma2 semaphore(%arg7 : memref<!tpu.dma_semaphore, #tpu.memory_space<semaphore_mem>>) src(%dma_wait3A_85 : memref<8x50x128xi32, #tpu.memory_space<vmem>>) dst(%dma_wait3A_84 : memref<8x50x128xi32, #tpu.memory_space<hbm>>)
      %sub3A_86 = arith.constant 2 : i32
      %sub3A_87 = arith.subi %add3A_73, %sub3A_86 : i32
      %mul3A_88 = arith.constant 400 : i32
      %mul3A_89 = arith.muli %sub3A_87, %mul3A_88 : i32
      %scan3A_90 = arith.constant 0 : i32
      %scan3A_91 = arith.constant 0 : i32
      %scan3A_92 = arith.constant 25 : i32
      %scan3A_93 = arith.addi %scan3A_91, %scan3A_92 : i32
      %scan3A_94 = arith.constant 1 : i32
      scf.for %scan3A_161 = %scan3A_91 to %scan3A_93 step %scan3A_94  : i32 {
        %mul3A_162 = arith.constant 16 : i32
        %mul3A_163 = arith.muli %scan3A_161, %mul3A_162 : i32
        %add3A_164 = arith.addi %mul3A_89, %mul3A_163 : i32
        %get3A = arith.index_cast %add3A_164 : i32 to index
        %get3A_165 = tpu.vector_load %arg4[%get3A] {strides = array<i32>} : memref<25600xi32, #tpu.memory_space<vmem>>, vector<16xi32>,
        %iota3A = tpu.iota {dimensions = array<i32: 0>} : vector<16xi32>
        %mul3A_166 = arith.constant 16 : i32
        %mul3A_167 = arith.muli %scan3A_161, %mul3A_166 : i32
        %add3A_168 = vector.broadcast %mul3A_167 : i32 to vector<16xi32>
        %add3A_169 = arith.addi %iota3A, %add3A_168 : vector<16xi32>
        tpu.vector_store_idx %arg5[%add3A_169, %get3A_165], %broadcast_in_dim3A_3 : memref<400x128xi32, #tpu.memory_space<vmem>>[vector<16xi32>, vector<16xi32>], vector<16xi32>,
      }
      %scan3A_95 = arith.constant 25 : i32
      %mul3A_96 = arith.constant 400 : i32
      %mul3A_97 = arith.muli %add3A_73, %mul3A_96 : i32
      %scan3A_98 = arith.constant 0 : i32
      %scan3A_99 = arith.constant 0 : i32
      %scan3A_100 = arith.constant 25 : i32
      %scan3A_101 = arith.addi %scan3A_99, %scan3A_100 : i32
      %scan3A_102 = arith.constant 1 : i32
      scf.for %scan3A_161 = %scan3A_99 to %scan3A_101 step %scan3A_102  : i32 {
        %mul3A_162 = arith.constant 16 : i32
        %mul3A_163 = arith.muli %scan3A_161, %mul3A_162 : i32
        %add3A_164 = arith.addi %mul3A_97, %mul3A_163 : i32
        %get3A = arith.index_cast %add3A_164 : i32 to index
        %get3A_165 = tpu.vector_load %arg4[%get3A] {strides = array<i32>} : memref<25600xi32, #tpu.memory_space<vmem>>, vector<16xi32>,
        %iota3A = tpu.iota {dimensions = array<i32: 0>} : vector<16xi32>
        %mul3A_166 = arith.constant 16 : i32
        %mul3A_167 = arith.muli %scan3A_161, %mul3A_166 : i32
        %add3A_168 = vector.broadcast %mul3A_167 : i32 to vector<16xi32>
        %add3A_169 = arith.addi %iota3A, %add3A_168 : vector<16xi32>
        tpu.vector_store_idx %arg5[%add3A_169, %get3A_165], %broadcast_in_dim3A_5 : memref<400x128xi32, #tpu.memory_space<vmem>>[vector<16xi32>, vector<16xi32>], vector<16xi32>,
      }
      %scan3A_103 = arith.constant 25 : i32
      %mul3A_104 = arith.constant 8 : i32
      %mul3A_105 = arith.muli %add3A_73, %mul3A_104 : i32
      %add3A_106 = arith.addi %mul3A_2, %mul3A_105 : i32
      %dma_start3A_107 = tpu.memref_reshape %arg5 : memref<400x128xi32, #tpu.memory_space<vmem>> -> memref<8x50x128xi32, #tpu.memory_space<vmem>>
      %dma_start3A_108 = arith.constant 0 : i32
      %dma_start3A_109 = arith.constant 0 : i32
      %dma_start3A_110 = tpu.memref_slice %arg3[%add3A_106, %dma_start3A_108, %dma_start3A_109] : memref<16384x50x128xi32, #tpu.memory_space<hbm>> -> memref<8x50x128xi32, #tpu.memory_space<hbm>>
      %dma_start3A_111 = arith.constant 0 : i32
      %dma_start3A_112 = arith.constant 0 : i32
      %dma_start3A_113 = tpu.memref_slice %arg3[%add3A_106, %dma_start3A_111, %dma_start3A_112] : memref<16384x50x128xi32, #tpu.memory_space<hbm>> -> memref<8x50x128xi32, #tpu.memory_space<hbm>>
      %dma_start3A_114 = tpu.memref_reshape %arg5 : memref<400x128xi32, #tpu.memory_space<vmem>> -> memref<8x50x128xi32, #tpu.memory_space<vmem>>
      tpu.enqueue_dma source(%dma_start3A_114 : memref<8x50x128xi32, #tpu.memory_space<vmem>>) target(%dma_start3A_113 : memref<8x50x128xi32, #tpu.memory_space<hbm>>) target_semaphore(%arg7 : memref<!tpu.dma_semaphore, #tpu.memory_space<semaphore_mem>>)
      %mul3A_115 = arith.constant 2 : i32
      %mul3A_116 = arith.muli %mul3A_115, %scan3A_69 : i32
      %add3A_117 = arith.constant 1 : i32
      %add3A_118 = arith.addi %mul3A_116, %add3A_117 : i32
      %sub3A_119 = arith.constant 2 : i32
      %sub3A_120 = arith.subi %add3A_118, %sub3A_119 : i32
      %mul3A_121 = arith.constant 8 : i32
      %mul3A_122 = arith.muli %sub3A_120, %mul3A_121 : i32
      %add3A_123 = arith.addi %mul3A_2, %mul3A_122 : i32
      %dma_wait3A_124 = tpu.memref_reshape %arg6 : memref<400x128xi32, #tpu.memory_space<vmem>> -> memref<8x50x128xi32, #tpu.memory_space<vmem>>
      %dma_wait3A_125 = arith.constant 0 : i32
      %dma_wait3A_126 = arith.constant 0 : i32
      %dma_wait3A_127 = tpu.memref_slice %arg3[%add3A_123, %dma_wait3A_125, %dma_wait3A_126] : memref<16384x50x128xi32, #tpu.memory_space<hbm>> -> memref<8x50x128xi32, #tpu.memory_space<hbm>>
      %dma_wait3A_128 = arith.constant 0 : i32
      %dma_wait3A_129 = arith.constant 0 : i32
      %dma_wait3A_130 = tpu.memref_slice %arg3[%add3A_123, %dma_wait3A_128, %dma_wait3A_129] : memref<16384x50x128xi32, #tpu.memory_space<hbm>> -> memref<8x50x128xi32, #tpu.memory_space<hbm>>
      %dma_wait3A_131 = tpu.memref_reshape %arg6 : memref<400x128xi32, #tpu.memory_space<vmem>> -> memref<8x50x128xi32, #tpu.memory_space<vmem>>
      tpu.wait_dma2 semaphore(%arg8 : memref<!tpu.dma_semaphore, #tpu.memory_space<semaphore_mem>>) src(%dma_wait3A_131 : memref<8x50x128xi32, #tpu.memory_space<vmem>>) dst(%dma_wait3A_130 : memref<8x50x128xi32, #tpu.memory_space<hbm>>)
      %sub3A_132 = arith.constant 2 : i32
      %sub3A_133 = arith.subi %add3A_118, %sub3A_132 : i32
      %mul3A_134 = arith.constant 400 : i32
      %mul3A_135 = arith.muli %sub3A_133, %mul3A_134 : i32
      %scan3A_136 = arith.constant 0 : i32
      %scan3A_137 = arith.constant 0 : i32
      %scan3A_138 = arith.constant 25 : i32
      %scan3A_139 = arith.addi %scan3A_137, %scan3A_138 : i32
      %scan3A_140 = arith.constant 1 : i32
      scf.for %scan3A_161 = %scan3A_137 to %scan3A_139 step %scan3A_140  : i32 {
        %mul3A_162 = arith.constant 16 : i32
        %mul3A_163 = arith.muli %scan3A_161, %mul3A_162 : i32
        %add3A_164 = arith.addi %mul3A_135, %mul3A_163 : i32
        %get3A = arith.index_cast %add3A_164 : i32 to index
        %get3A_165 = tpu.vector_load %arg4[%get3A] {strides = array<i32>} : memref<25600xi32, #tpu.memory_space<vmem>>, vector<16xi32>,
        %iota3A = tpu.iota {dimensions = array<i32: 0>} : vector<16xi32>
        %mul3A_166 = arith.constant 16 : i32
        %mul3A_167 = arith.muli %scan3A_161, %mul3A_166 : i32
        %add3A_168 = vector.broadcast %mul3A_167 : i32 to vector<16xi32>
        %add3A_169 = arith.addi %iota3A, %add3A_168 : vector<16xi32>
        tpu.vector_store_idx %arg6[%add3A_169, %get3A_165], %broadcast_in_dim3A_3 : memref<400x128xi32, #tpu.memory_space<vmem>>[vector<16xi32>, vector<16xi32>], vector<16xi32>,
      }
      %scan3A_141 = arith.constant 25 : i32
      %mul3A_142 = arith.constant 400 : i32
      %mul3A_143 = arith.muli %add3A_118, %mul3A_142 : i32
      %scan3A_144 = arith.constant 0 : i32
      %scan3A_145 = arith.constant 0 : i32
      %scan3A_146 = arith.constant 25 : i32
      %scan3A_147 = arith.addi %scan3A_145, %scan3A_146 : i32
      %scan3A_148 = arith.constant 1 : i32
      scf.for %scan3A_161 = %scan3A_145 to %scan3A_147 step %scan3A_148  : i32 {
        %mul3A_162 = arith.constant 16 : i32
        %mul3A_163 = arith.muli %scan3A_161, %mul3A_162 : i32
        %add3A_164 = arith.addi %mul3A_143, %mul3A_163 : i32
        %get3A = arith.index_cast %add3A_164 : i32 to index
        %get3A_165 = tpu.vector_load %arg4[%get3A] {strides = array<i32>} : memref<25600xi32, #tpu.memory_space<vmem>>, vector<16xi32>,
        %iota3A = tpu.iota {dimensions = array<i32: 0>} : vector<16xi32>
        %mul3A_166 = arith.constant 16 : i32
        %mul3A_167 = arith.muli %scan3A_161, %mul3A_166 : i32
        %add3A_168 = vector.broadcast %mul3A_167 : i32 to vector<16xi32>
        %add3A_169 = arith.addi %iota3A, %add3A_168 : vector<16xi32>
        tpu.vector_store_idx %arg6[%add3A_169, %get3A_165], %broadcast_in_dim3A_5 : memref<400x128xi32, #tpu.memory_space<vmem>>[vector<16xi32>, vector<16xi32>], vector<16xi32>,
      }
      %scan3A_149 = arith.constant 25 : i32
      %mul3A_150 = arith.constant 8 : i32
      %mul3A_151 = arith.muli %add3A_118, %mul3A_150 : i32
      %add3A_152 = arith.addi %mul3A_2, %mul3A_151 : i32
      %dma_start3A_153 = tpu.memref_reshape %arg6 : memref<400x128xi32, #tpu.memory_space<vmem>> -> memref<8x50x128xi32, #tpu.memory_space<vmem>>
      %dma_start3A_154 = arith.constant 0 : i32
      %dma_start3A_155 = arith.constant 0 : i32
      %dma_start3A_156 = tpu.memref_slice %arg3[%add3A_152, %dma_start3A_154, %dma_start3A_155] : memref<16384x50x128xi32, #tpu.memory_space<hbm>> -> memref<8x50x128xi32, #tpu.memory_space<hbm>>
      %dma_start3A_157 = arith.constant 0 : i32
      %dma_start3A_158 = arith.constant 0 : i32
      %dma_start3A_159 = tpu.memref_slice %arg3[%add3A_152, %dma_start3A_157, %dma_start3A_158] : memref<16384x50x128xi32, #tpu.memory_space<hbm>> -> memref<8x50x128xi32, #tpu.memory_space<hbm>>
      %dma_start3A_160 = tpu.memref_reshape %arg6 : memref<400x128xi32, #tpu.memory_space<vmem>> -> memref<8x50x128xi32, #tpu.memory_space<vmem>>
      tpu.enqueue_dma source(%dma_start3A_160 : memref<8x50x128xi32, #tpu.memory_space<vmem>>) target(%dma_start3A_159 : memref<8x50x128xi32, #tpu.memory_space<hbm>>) target_semaphore(%arg8 : memref<!tpu.dma_semaphore, #tpu.memory_space<semaphore_mem>>)
    }
    %scan3A_49 = arith.constant 31 : i32
    %add3A_50 = arith.constant 496 : i32
    %add3A_51 = arith.addi %mul3A_2, %add3A_50 : i32
    %dma_wait3A = tpu.memref_reshape %arg5 : memref<400x128xi32, #tpu.memory_space<vmem>> -> memref<8x50x128xi32, #tpu.memory_space<vmem>>
    %dma_wait3A_52 = arith.constant 0 : i32
    %dma_wait3A_53 = arith.constant 0 : i32
    %dma_wait3A_54 = tpu.memref_slice %arg3[%add3A_51, %dma_wait3A_52, %dma_wait3A_53] : memref<16384x50x128xi32, #tpu.memory_space<hbm>> -> memref<8x50x128xi32, #tpu.memory_space<hbm>>
    %dma_wait3A_55 = arith.constant 0 : i32
    %dma_wait3A_56 = arith.constant 0 : i32
    %dma_wait3A_57 = tpu.memref_slice %arg3[%add3A_51, %dma_wait3A_55, %dma_wait3A_56] : memref<16384x50x128xi32, #tpu.memory_space<hbm>> -> memref<8x50x128xi32, #tpu.memory_space<hbm>>
    %dma_wait3A_58 = tpu.memref_reshape %arg5 : memref<400x128xi32, #tpu.memory_space<vmem>> -> memref<8x50x128xi32, #tpu.memory_space<vmem>>
    tpu.wait_dma2 semaphore(%arg7 : memref<!tpu.dma_semaphore, #tpu.memory_space<semaphore_mem>>) src(%dma_wait3A_58 : memref<8x50x128xi32, #tpu.memory_space<vmem>>) dst(%dma_wait3A_57 : memref<8x50x128xi32, #tpu.memory_space<hbm>>)
    %add3A_59 = arith.constant 504 : i32
    %add3A_60 = arith.addi %mul3A_2, %add3A_59 : i32
    %dma_wait3A_61 = tpu.memref_reshape %arg6 : memref<400x128xi32, #tpu.memory_space<vmem>> -> memref<8x50x128xi32, #tpu.memory_space<vmem>>
    %dma_wait3A_62 = arith.constant 0 : i32
    %dma_wait3A_63 = arith.constant 0 : i32
    %dma_wait3A_64 = tpu.memref_slice %arg3[%add3A_60, %dma_wait3A_62, %dma_wait3A_63] : memref<16384x50x128xi32, #tpu.memory_space<hbm>> -> memref<8x50x128xi32, #tpu.memory_space<hbm>>
    %dma_wait3A_65 = arith.constant 0 : i32
    %dma_wait3A_66 = arith.constant 0 : i32
    %dma_wait3A_67 = tpu.memref_slice %arg3[%add3A_60, %dma_wait3A_65, %dma_wait3A_66] : memref<16384x50x128xi32, #tpu.memory_space<hbm>> -> memref<8x50x128xi32, #tpu.memory_space<hbm>>
    %dma_wait3A_68 = tpu.memref_reshape %arg6 : memref<400x128xi32, #tpu.memory_space<vmem>> -> memref<8x50x128xi32, #tpu.memory_space<vmem>>
    tpu.wait_dma2 semaphore(%arg8 : memref<!tpu.dma_semaphore, #tpu.memory_space<semaphore_mem>>) src(%dma_wait3A_68 : memref<8x50x128xi32, #tpu.memory_space<vmem>>) dst(%dma_wait3A_67 : memref<8x50x128xi32, #tpu.memory_space<hbm>>)
    return
  }
}

</mosaic_0001>

<sc_bundles>
// kernel: kernel.3.cloned.1.call-start
scs
__scs_entry_jumppad:
0x0: {  	(pc) =	sbr.rel $0x88, $3  }
0x1: {  	(tag) =	ssettag $0x0;
	lr =	simm.s32 $0x1  }
0x2: {  	[smem:$0x3FA0] =	sst lr;
	_ =	strace $0xD0000000  }
0x3: {  	_ = 	snop  }
0x4: {  	_ = 	snop  }
0x5: {  	_ = 	snop  }
0x6: {  	_ = 	snop  }
0x7: {  	_ = 	snop  }
__scs_overlays_trampoline_lowered:
0x8: {  	[smem:$0x3FAF] =	sst s0  }
0x9: {  	[smem:$0x3FB0] =	sst s1  }
0xa: {  	[smem:$0x3FB1] =	sst s2  }
0xb: {  	[smem:$0x3FB2] =	sst s3  }
0xc: {  	[smem:$0x3FB3] =	sst s4  }
0xd: {  	[smem:$0x3FB4] =	sst s5  }
0xe: {  	[smem:$0x3FB5] =	sst s6  }
0xf: {  	[smem:$0x3FB6] =	sst s7  }
0x10: {  	[smem:$0x3FB7] =	sst s8  }
0x11: {  	[smem:$0x3FB8] =	sst s9;
	s0 =	simm.s32 @!p0 $0x0  }
0x12: {  	s1 =	sld [smem:$0x3F9E];
	s0 =	simm.s32 @p0 $0x1  }
0x13: {  	[smem:$0x3FB9] =	sst s0;
	s0 =	simm.s32 @!p1 $0x0  }
0x14: {  	s2 =	sld [smem:$0x3F9D];
	s0 =	simm.s32 @p1 $0x1  }
0x15: {  	[smem:$0x3FBA] =	sst s0;
	s0 =	simm.s32 @!p2 $0x0  }
0x16: {  	s3 =	sld [smem:$0x3FDB];
	s0 =	simm.s32 @p2 $0x1  }
0x17: {  	s4 =	simm.s32 $0x1BF5;
	[smem:$0x3FBC] =	sst s0  }
0x18: {  	s0 =	sld [smem:$0x3F9F];
	_ =	swait.ge [sflag:s4], $0x0  }
0x19: {  	s7 =	sld [smem:$0x3FA0]  }
0x1a: {  	s8 =	sadd.s32 $0xFFFFE003, lr  }
0x1b: {  	s9 =	sadd.s32 $0xFFFFFEF7, lr;
	s5 =	simm.s32 $0xFFFFFFFF;
	p2 =	slt.u32 s8, $0xFFFFF086  }
0x1c: {  	p1 =	slt.u32 s9, $0xF7A;
	s5 =	simm.s32 @!p2 $0x0  }
0x1d: {  	s5 =	simm.s32 @p1 $0x1;
	p0 =	seq.s32 s7, s2  }
0x1e: {  	s7 =	smul.u32 @!p0 $0xF7A, s2;
	p2 =	seq.s32 @!p0 s5, $0x0  }
0x1f: {  	s9 =	smul.u32 $0xF7A, s1;
	s8 =	simm.s32 @!p0 $0x1BF5;
	p2 =	por !p2, p0  }
0x20: {  	[sflag:s8] =	ssyncset.s32 @!p0 $0xFFFFF086;
	s6 =	sadd.s32 @!p0 s3, s7;
	s7 =	simm.s32 @!p0 $0x108  }
0x21: {  	s3 =	sadd.s32 s3, s9;
	s6 =	sadd.s32 @!p0 $0x88, s6;
	s7 =	simm.s32 @p2 $0x1082  }
0x22: {  	[simem:s7], [sflag:s8] =	dma.local @!p0 [hbm:s6], $0xF7A  }
0x23: {  	s9 =	sor.u32 $0xD0000000, s2;
	s6 =	simm.s32 $0x108;
	_ =	swait.ge @!p0 [sflag:s8], $0x0  }
0x24: {  	s3 =	sadd.s32 $0x88, s3;
	s6 =	simm.s32 @!p1 $0x1082;
	[sflag:s4] =	ssyncset.s32 $0xFFFFF086  }
0x25: {  	[simem:s6], [sflag:s4] =	dma.local [hbm:s3], $0xF7A  }
0x26: {  	[smem:$0x3FA0] =	sst s1;
	(tag) =	ssettag s2;
	_ =	strace s9  }
0x27: {  	s1 =	sld [smem:$0x3FB0]  }
0x28: {  	s2 =	sld [smem:$0x3FB1]  }
0x29: {  	s4 =	sld [smem:$0x3FB3]  }
0x2a: {  	p0 =	seq.s32 s5, $0x0;
	s5 =	sld [smem:$0x3FB4]  }
0x2b: {  	s6 =	sld [smem:$0x3FB5]  }
0x2c: {  	s7 =	sld [smem:$0x3FB6]  }
0x2d: {  	s3 =	simm.s32 $0x108;
	s8 =	sld [smem:$0x3FB7]  }
0x2e: {  	s3 =	simm.s32 @!p0 $0x1082;
	s9 =	sld [smem:$0x3FB8]  }
0x2f: {  	lr =	sadd.s32 s0, s3;
	s0 =	sld [smem:$0x3FAF]  }
0x30: {  	s3 =	sld [smem:$0x3FB2]  }
0x31: {  	[smem:$0x3FBB] =	sst s10  }
0x32: {  	s10 =	sld [smem:$0x3FB9];
	_ =	sdelay $0x3  }
0x33: {  	p0 =	seq.s32 s10, $0x1;
	s10 =	sld [smem:$0x3FBB];
	_ =	sdelay $0x3  }
0x34: {  	[smem:$0x3FBB] =	sst s10  }
0x35: {  	s10 =	sld [smem:$0x3FBA];
	_ =	sdelay $0x3  }
0x36: {  	p1 =	seq.s32 s10, $0x1;
	s10 =	sld [smem:$0x3FBB];
	_ =	sdelay $0x3  }
0x37: {  	[smem:$0x3FBB] =	sst s10  }
0x38: {  	s10 =	sld [smem:$0x3FBC]  }
0x39: {  	_ = 	snop;
	(pc) =	sbr.ind lr, $3  }
0x3a: {  	_ = 	snop  }
0x3b: {  	_ = 	snop  }
0x3c: {  	p2 =	seq.s32 s10, $0x1;
	s10 =	sld [smem:$0x3FBB]  }
0x3d: {  	_ =	shalt  }
0x3e: {  	_ =	shalt  }
0x3f: {  	_ =	shalt  }
0x40: {  	_ =	shalt  }
0x41: {  	_ =	shalt  }
0x42: {  	_ =	shalt  }
0x43: {  	_ =	shalt  }
0x44: {  	_ =	shalt  }
0x45: {  	_ =	shalt  }
0x46: {  	_ =	shalt  }
0x47: {  	_ =	shalt  }
0x48: {  	_ =	shalt  }
0x49: {  	_ =	shalt  }
0x4a: {  	_ =	shalt  }
0x4b: {  	_ =	shalt  }
0x4c: {  	_ =	shalt  }
0x4d: {  	_ =	shalt  }
0x4e: {  	_ =	shalt  }
0x4f: {  	_ =	shalt  }
0x50: {  	_ =	shalt  }
0x51: {  	_ =	shalt  }
0x52: {  	_ =	shalt  }
0x53: {  	_ =	shalt  }
0x54: {  	_ =	shalt  }
0x55: {  	_ =	shalt  }
0x56: {  	_ =	shalt  }
0x57: {  	_ =	shalt  }
0x58: {  	_ =	shalt  }
0x59: {  	_ =	shalt  }
0x5a: {  	_ =	shalt  }
0x5b: {  	_ =	shalt  }
0x5c: {  	_ =	shalt  }
0x5d: {  	_ =	shalt  }
0x5e: {  	_ =	shalt  }
0x5f: {  	_ =	shalt  }
0x60: {  	_ =	shalt  }
0x61: {  	_ =	shalt  }
0x62: {  	_ =	shalt  }
0x63: {  	_ =	shalt  }
0x64: {  	_ =	shalt  }
0x65: {  	_ =	shalt  }
0x66: {  	_ =	shalt  }
0x67: {  	_ =	shalt  }
0x68: {  	_ =	shalt  }
0x69: {  	_ =	shalt  }
0x6a: {  	_ =	shalt  }
0x6b: {  	_ =	shalt  }
0x6c: {  	_ =	shalt  }
0x6d: {  	_ =	shalt  }
0x6e: {  	_ =	shalt  }
0x6f: {  	_ =	shalt  }
0x70: {  	_ =	shalt  }
0x71: {  	_ =	shalt  }
0x72: {  	_ =	shalt  }
0x73: {  	_ =	shalt  }
0x74: {  	_ =	shalt  }
0x75: {  	_ =	shalt  }
0x76: {  	_ =	shalt  }
0x77: {  	_ =	shalt  }
0x78: {  	_ =	shalt  }
0x79: {  	_ =	shalt  }
0x7a: {  	_ =	shalt  }
0x7b: {  	_ =	shalt  }
0x7c: {  	_ =	shalt  }
0x7d: {  	_ =	shalt  }
0x7e: {  	_ =	shalt  }
0x7f: {  	_ =	shalt  }
0x80: {  	_ =	shalt  }
0x81: {  	_ =	shalt  }
0x82: {  	_ =	shalt  }
0x83: {  	_ =	shalt  }
0x84: {  	_ =	shalt  }
0x85: {  	_ =	shalt  }
0x86: {  	_ =	shalt  }
0x87: {  	_ =	shalt  }
.Lfunc_end0:
.L_simem_size_0:
called_computation_lowered:
.L_overlay_start_0:
0x88: {  	s2 =	sld [smem:$0x3FD9]  }
0x89: {  	s3 =	sld [smem:$0x3FFE];
	_ =	sdelay $0x1  }
0x8a: {  	s1 =	srdreg.scid  }
0x8b: {  	s0 =	sand.u32 $0x1, s1  }
0x8c: {  	s17 =	sshll.u32 s0, $0xA;
	s2 =	sadd.s32 s3, s2  }
0x8d: {  	s2 =	sadd.s32 s2, s17  }
0x8e: {  	[smem:$0x3FC7] =	sst s2  }
0x8f: {  	_ = 	snop  }
0x90: {  	s2 =	sld [smem:$0x3FD0];
	(tm) =	ssettm $0x1  }
0x91: {  	s18 =	sld [smem:$0x3FFB];
	_ =	sdelay $0x3  }
0x92: {  	_ =	strace s18  }
0x93: {  	s3 =	sld [smem:$0x3FFC];
	_ =	sdelay $0x3  }
0x94: {  	_ =	strace s3  }
0x95: {  	s3 =	sld [smem:$0x3FFD];
	_ =	sdelay $0x3  }
0x96: {  	_ =	strace s3  }
0x97: {  	_ =	strace $0x8FFFFFFF  }
0x98: {  	s19 =	sld [smem:$0x3FDB];
	_ =	sdelay $0x1  }
0x99: {  	s4 =	simm.s32 $_scs_section_size  }
0x9a: {  	s5 =	simm.s32 $_size__tile_overlayer_lowered;
	s6 =	simm.s32 $_tile_overlayer_lowered  }
0x9b: {  	s22 =	simm.s32 $0x1BFF;
	s21 =	sshll.u32 s6, $0x1;
	s3 =	sadd.s32 s4, s19  }
0x9c: {  	s7 =	simm.s32 $0x0;
	s20 =	sshll.u32 s5, $0x1;
	s5 =	sadd.s32 s21, s3  }
0x9d: {  	[timem:s7], [sflag:s22] =	dma.local [hbm:s5], s20  }
0x9e: {  	_ =	swait.ge [sflag:s22], s20  }
0x9f: {  	s4 =	ssub.s32 $0x0, s20;
	[sflag:s22] =	ssyncset.done $0x0  }
0xa0: {  	[sflag:s22] =	ssyncadd.s32 s4;
	_ =	sdelay $0x1  }
0xa1: {  	s23 =	simm.s32 $0x1B8B  }
0xa2: {  	_ =	swait.ge [sflag:s23], $0x1  }
0xa3: {  	[sflag:s23] =	ssyncset.done $0x0  }
0xa4: {  	s25 =	simm.s32 $0x1B8E;
	s24 =	sld [smem:$0x3FFE];
	[sflag:s23] =	ssyncadd.s32 $0xFFFFFFFF  }
0xa5: {  	s26 =	simm.s32 $execute0_lowered;
	[smem:$0x3FD2] =	sst s25  }
0xa6: {  	s5 =	sshll.u32 s26, $0x1;
	_ =	strace $0x80000046;
	[dreg:$0x1] =	wrdreg $0xFFFFFFFF  }
0xa7: {  	s28 =	simm.s32 $_size_execute0_lowered;
	s3 =	sadd.s32 s3, s5;
	[dreg:$0x0] =	wrdreg $0x0  }
0xa8: {  	s5 =	sshll.u32 s28, $0x1;
	[dreg:$0x2] =	wrdreg s3  }
0xa9: {  	[dreg:$0x3] =	wrdreg s5  }
0xaa: {  	[dreg:$0x4] =	wrdreg $0xC0  }
0xab: {  	_ =	task [dreg:s7], $0x5FFFF  }
0xac: {  	[dreg:$0x1] =	wrdreg $0xFFFFFFFF  }
0xad: {  	[dreg:$0x0] =	wrdreg $0x60  }
0xae: {  	[dreg:$0x2] =	wrdreg s2  }
0xaf: {  	[dreg:$0x3] =	wrdreg s24  }
0xb0: {  	[dreg:$0x4] =	wrdreg $0x9  }
0xb1: {  	_ =	task.clear_ibuf [dreg:s7], $0x5FFFF;
	_ =	strace $0x90000046  }
0xb2: {  	s29 =	simm.s32 $0x9;
	_ =	strace $0x80000048  }
0xb3: {  	_ =	swait.ge [sflag:s29], $0x1  }
0xb4: {  	[sflag:s29] =	ssyncadd.s32 $0xFFFFFFFF  }
0xb5: {  	_ =	strace $0x90000048  }
0xb6: {  	_ =	sfence  }
0xb7: {  	s30 =	sld [smem:$0x0];
	_ =	sdelay $0x2  }
0xb8: {  	s31 =	sshll.u32 s1, $0xD;
	s1 =	sshrl.u32 s1, $0x2  }
0xb9: {  	s3 =	sand.u32 $0x4000, s31;
	s1 =	sadd.s32 s1, s30  }
0xba: {  	s0 =	sor.u32 s3, s0;
	s1 =	sshll.u32 s1, $0x11  }
0xbb: {  	s0 =	sor.u32 s1, s0  }
0xbc: {  	s0 =	sadd.s32 $0x8F2B, s0  }
0xbd: {  	[sflag:s0] =	ssyncadd.remote.s32 $0x1  }
0xbe: {  	_ =	sfence.sel $0xFFFF  }
0xbf: {  	[dreg:$0x0] =	wrdreg $0xFFFFFFFF;
	(pc) =	sbr.abs _section_cstart, $3  }
0xc0: {  	[dreg:$0x1] =	wrdreg $0xFFFFFFFF  }
0xc1: {  	_ =	task.clear_ibuf [dreg:s7], $0x2FFFF;
	_ =	strace $0x9FFFFFFF  }
0xc2: {  	(tm) =	ssettm $0x7FFFFFFF  }
0xc3: {  	_ =	shalt  }
tec
execute0_lowered:
.L_overlay_start_1:
0x0: {  	(tag) =	ssettag $0x1  }
0x1: {  	s6 =	rddreg [dreg:$0x0]  }
0x2: {  	s1 =	srdreg.scid;
	s0 =	stileid.u32  }
0x3: {  	s3 =	rddreg [dreg:$0x1];
	s2 =	simm.s32 $0x0;
	s10 =	simm.s32 $0x6400  }
0x4: {  	s11 =	simm.s32 $0x1900;
	s12 =	simm.s32 $0x1C00;
	s13 =	simm.s32 $0x12C00  }
0x5: {  	s14 =	simm.s32 $0x1;
	s4 =	sand.u32 $0x1, s1;
	s5 =	sshll.u32 s0, $0x1  }
0x6: {  	s15 =	simm.s32 $0x2;
	s1 =	rddreg [dreg:$0x2];
	s5 =	sor.u32 s4, s5  }
0x7: {  	s16 =	simm.s32 $0x0;
	[smem:$0x7FF] =	sst s2;
	s7 =	smul.u32 $0x70000, s5  }
0x8: {  	s3 =	sadd.s32 $0x400, s3;
	s4 =	ssub.s32 $0x2, s4;
	s9 =	smul.u32 $0xC80, s5  }
0x9: {  	_ =	strace $0x80000047;
	s8 =	sshrl.u32 s4, $0x1;
	s5 =	sshll.u32 s5, $0x9  }
0xa: {  	v1 =	vlaneseq.u32;
	s8 =	ssub.s32 s4, s8;
	s4 =	sadd.s32 s3, s7;
	s6 =	sadd.s32 s6, s9  }
0xb: {  	v0 =	vimm.s32 $0x0;
	v2 =	vimm.s32 $0x1;
	v1 =	vmul.u32 $0x80, v1;
	s8 =	smax.u32 s8, $0x1;
	s9 =	simm.s32 $0x3;
	s7 =	sadd.s32 $0x1C00, s4  }
.LBB2_1:
0xc: {  	[tilespmem:s2], [sflag:$0x3] =	stream.linear.gather [hbm4b:s6+s2], $0x6400, $0x38;
	[tilespmem:$0x1F400] =	vst v63  }
0xd: {  	_ =	swait.ge [sflag:s9], $0x6400  }
0xe: {  	[sflag:s9] =	ssyncset.done $0x0  }
0xf: {  	s17 =	simm.s32 $0x0;
	s18 =	simm.s32 $0x200;
	[sflag:s9] =	ssyncadd.s32 $0xFFFF9C00  }
.LBB2_2:
0x10: {  	p0 =	sne.s32 s18, $0x31E00;
	[tilespmem:s17+$0x12C70] =	vst v0  }
0x11: {  	[tilespmem:s17+$0x6400] =	vst v0  }
0x12: {  	[tilespmem:s17+$0x12C00] =	vst v0  }
0x13: {  	[tilespmem:s17+$0x6410] =	vst v0  }
0x14: {  	[tilespmem:s17+$0x12C10] =	vst v0  }
0x15: {  	[tilespmem:s17+$0x6420] =	vst v0  }
0x16: {  	[tilespmem:s17+$0x12C20] =	vst v0  }
0x17: {  	[tilespmem:s17+$0x6430] =	vst v0  }
0x18: {  	[tilespmem:s17+$0x12C30] =	vst v0  }
0x19: {  	[tilespmem:s17+$0x6440] =	vst v0  }
0x1a: {  	[tilespmem:s17+$0x12C40] =	vst v0  }
.Ltmp0:
0x1b: {  	[tilespmem:s17+$0x6450] =	vst v0;
	(pc) =	sbr.rel @p0 .LBB2_2-.Ltmp0, $4  }
0x1c: {  	[tilespmem:s17+$0x12C50] =	vst v0  }
0x1d: {  	[tilespmem:s17+$0x6460] =	vst v0  }
0x1e: {  	[tilespmem:s17+$0x12C60] =	vst v0  }
0x1f: {  	[tilespmem:s17+$0x6470] =	vst v0;
	s17 =	sshra.s32 s18, $0x2;
	s18 =	sadd.s32 $0x200, s18  }
0x20: {  	[tilespmem:s17+$0x12C70] =	vst v0  }
0x21: {  	[tilespmem:s17+$0x6400] =	vst v0  }
0x22: {  	[tilespmem:s17+$0x12C00] =	vst v0  }
0x23: {  	[tilespmem:s17+$0x6410] =	vst v0  }
0x24: {  	[tilespmem:s17+$0x12C10] =	vst v0  }
0x25: {  	[tilespmem:s17+$0x6420] =	vst v0  }
0x26: {  	[tilespmem:s17+$0x12C20] =	vst v0  }
0x27: {  	[tilespmem:s17+$0x6430] =	vst v0  }
0x28: {  	[tilespmem:s17+$0x12C30] =	vst v0  }
0x29: {  	[tilespmem:s17+$0x6440] =	vst v0  }
0x2a: {  	[tilespmem:s17+$0x12C40] =	vst v0  }
0x2b: {  	[tilespmem:s17+$0x6450] =	vst v0  }
0x2c: {  	[tilespmem:s17+$0x12C50] =	vst v0  }
0x2d: {  	[tilespmem:s17+$0x6460] =	vst v0  }
0x2e: {  	[tilespmem:s17+$0x12C60] =	vst v0  }
0x2f: {  	[tilespmem:s17+$0x6470] =	vst v0;
	s17 =	simm.s32 $0x0  }
0x30: {  	s18 =	simm.s32 $0x10;
	s19 =	simm.s32 $0x0;
	v3 =	vld [tilespmem:s17+$0x0]  }
.LBB2_4:
0x31: {  	p0 =	sne.s32 s18, $0x180;
	_ =	sdelay $0x1  }
0x32: {  	v4 =	vmov s17;
	s17 =	smov.u32 s18  }
0x33: {  	v4 =	vshll.u32 v4, $0x7  }
0x34: {  	v4 =	vor.u32 v1, v4;
	v5 =	vand.u32 $0xFFFFFF80, v3  }
0x35: {  	v3 =	vand.u32 $0x7F, v3;
	v4 =	vadd.s32 v4, v5  }
0x36: {  	v3 =	vor.u32 v3, v4;
	_ =	sdelay $0x1  }
.Ltmp1:
0x37: {  	(pc) =	sbr.rel @p0 .LBB2_4-.Ltmp1, $3  }
0x38: {  	_ =	sdelay $0x1  }
0x39: {  	s19 =	sadd.s32 $0x10, s19;
	[tilespmem:v3+s10+$0x0] =	vst.idx.msk $0xffff, v2  }
0x3a: {  	s18 =	sadd.s32 $0x10, s18;
	v3 =	vld [tilespmem:s19+$0x0]  }
0x3b: {  	_ =	sdelay $0x1  }
0x3c: {  	v4 =	vmov s17  }
0x3d: {  	v4 =	vshll.u32 v4, $0x7  }
0x3e: {  	v4 =	vor.u32 v1, v4;
	v5 =	vand.u32 $0xFFFFFF80, v3  }
0x3f: {  	v3 =	vand.u32 $0x7F, v3;
	v4 =	vadd.s32 v4, v5  }
0x40: {  	v3 =	vor.u32 v3, v4;
	_ =	sdelay $0x4  }
0x41: {  	s17 =	simm.s32 $0x190;
	[tilespmem:v3+s10+$0x0] =	vst.idx.msk $0xffff, v2  }
0x42: {  	[hbm4b:s4+s11] =	stream.strided.scatter [tilespmem:s10], [sflag:$0x1], $0xC800, s12, s11, $0x38;
	[tilespmem:$0x1F400] =	vst v63  }
0x43: {  	s18 =	simm.s32 $0x0;
	s19 =	simm.s32 $0x10;
	v3 =	vld [tilespmem:s17+$0x0]  }
.LBB2_6:
0x44: {  	p0 =	sne.s32 s19, $0x180;
	_ =	sdelay $0x1  }
0x45: {  	v4 =	vmov s18;
	s18 =	smov.u32 s19  }
0x46: {  	v4 =	vshll.u32 v4, $0x7  }
0x47: {  	v4 =	vor.u32 v1, v4;
	v5 =	vand.u32 $0xFFFFFF80, v3  }
0x48: {  	v3 =	vand.u32 $0x7F, v3;
	v4 =	vadd.s32 v4, v5  }
0x49: {  	v3 =	vor.u32 v3, v4;
	_ =	sdelay $0x1  }
.Ltmp2:
0x4a: {  	(pc) =	sbr.rel @p0 .LBB2_6-.Ltmp2, $3  }
0x4b: {  	_ =	sdelay $0x1  }
0x4c: {  	s17 =	sadd.s32 $0x10, s17;
	[tilespmem:v3+s13+$0x0] =	vst.idx.msk $0xffff, v2  }
0x4d: {  	s19 =	sadd.s32 $0x10, s19;
	v3 =	vld [tilespmem:s17+$0x0]  }
0x4e: {  	_ =	sdelay $0x1  }
0x4f: {  	v4 =	vmov s18  }
0x50: {  	v4 =	vshll.u32 v4, $0x7  }
0x51: {  	v4 =	vor.u32 v1, v4;
	v5 =	vand.u32 $0xFFFFFF80, v3  }
0x52: {  	v3 =	vand.u32 $0x7F, v3;
	v4 =	vadd.s32 v4, v5  }
0x53: {  	v3 =	vor.u32 v3, v4;
	_ =	sdelay $0x3  }
0x54: {  	s17 =	simm.s32 $0x1;
	s18 =	simm.s32 $0x0  }
0x55: {  	s19 =	simm.s32 $0x320;
	s20 =	simm.s32 $0x190;
	s21 =	simm.s32 $0x4B0;
	[tilespmem:v3+s13+$0x0] =	vst.idx.msk $0xffff, v2  }
0x56: {  	[hbm4b:s7+s11] =	stream.strided.scatter [tilespmem:s13], [sflag:$0x2], $0xC800, s12, s11, $0x38;
	[tilespmem:$0x1F400] =	vst v63  }
.LBB2_8:
0x57: {  	_ =	swait.ge [sflag:s14], $0xC800  }
0x58: {  	[sflag:s14] =	ssyncset.done $0x0  }
0x59: {  	s22 =	smov.u32 s18;
	s23 =	simm.s32 $0x0;
	[sflag:s14] =	ssyncadd.s32 $0xFFFF3800  }
.LBB2_9:
0x5a: {  	v3 =	vld [tilespmem:s22+$0x0];
	_ =	sdelay $0x2  }
0x5b: {  	v4 =	vmov s23  }
0x5c: {  	v4 =	vshll.u32 v4, $0x7  }
0x5d: {  	v4 =	vor.u32 v1, v4;
	v5 =	vand.u32 $0xFFFFFF80, v3  }
0x5e: {  	v3 =	vand.u32 $0x7F, v3;
	v4 =	vadd.s32 v4, v5  }
0x5f: {  	p0 =	sne.s32 s23, $0x180;
	v3 =	vor.u32 v3, v4  }
.Ltmp3:
0x60: {  	_ = 	snop;
	(pc) =	sbr.rel @p0 .LBB2_9-.Ltmp3, $2  }
0x61: {  	_ =	sdelay $0x2  }
0x62: {  	s22 =	sadd.s32 $0x10, s22;
	s23 =	sadd.s32 $0x10, s23;
	[tilespmem:v3+s10+$0x0] =	vst.idx.msk $0xffff, v0  }
0x63: {  	s22 =	simm.s32 $0x0;
	v3 =	vld [tilespmem:s19+$0x0];
	s23 =	simm.s32 $0x10;
	s24 =	smov.u32 s19  }
.LBB2_11:
0x64: {  	p0 =	sne.s32 s23, $0x180;
	_ =	sdelay $0x1  }
0x65: {  	v4 =	vmov s22;
	s22 =	smov.u32 s23  }
0x66: {  	v4 =	vshll.u32 v4, $0x7  }
0x67: {  	v4 =	vor.u32 v1, v4;
	v5 =	vand.u32 $0xFFFFFF80, v3  }
0x68: {  	v3 =	vand.u32 $0x7F, v3;
	v4 =	vadd.s32 v4, v5  }
0x69: {  	v3 =	vor.u32 v3, v4;
	_ =	sdelay $0x1  }
.Ltmp4:
0x6a: {  	(pc) =	sbr.rel @p0 .LBB2_11-.Ltmp4, $3  }
0x6b: {  	_ =	sdelay $0x1  }
0x6c: {  	s24 =	sadd.s32 $0x10, s24;
	[tilespmem:v3+s10+$0x0] =	vst.idx.msk $0xffff, v2  }
0x6d: {  	s23 =	sadd.s32 $0x10, s23;
	v3 =	vld [tilespmem:s24+$0x0]  }
0x6e: {  	_ =	sdelay $0x1  }
0x6f: {  	v4 =	vmov s22  }
0x70: {  	v4 =	vshll.u32 v4, $0x7  }
0x71: {  	v4 =	vor.u32 v1, v4;
	v5 =	vand.u32 $0xFFFFFF80, v3  }
0x72: {  	v3 =	vand.u32 $0x7F, v3;
	v4 =	vadd.s32 v4, v5  }
0x73: {  	v3 =	vor.u32 v3, v4  }
0x74: {  	s31 =	sshll.u32 s17, $0x4  }
0x75: {  	s22 =	sadd.s32 s5, s31  }
0x76: {  	s22 =	smul.u32 $0x380, s22;
	_ =	sdelay $0x1  }
0x77: {  	s22 =	sadd.s32 s3, s22;
	[tilespmem:v3+s10+$0x0] =	vst.idx.msk $0xffff, v2  }
0x78: {  	[hbm4b:s22+s11] =	stream.strided.scatter [tilespmem:s10], [sflag:$0x1], $0xC800, s12, s11, $0x38;
	[tilespmem:$0x1F400] =	vst v63  }
0x79: {  	_ =	swait.ge [sflag:s15], $0xC800  }
0x7a: {  	[sflag:s15] =	ssyncset.done $0x0  }
0x7b: {  	[sflag:s15] =	ssyncadd.s32 $0xFFFF3800  }
0x7c: {  	s23 =	simm.s32 $0x10;
	s24 =	smov.u32 s20;
	s22 =	simm.s32 $0x0;
	v3 =	vld [tilespmem:s20+$0x0]  }
.LBB2_13:
0x7d: {  	p0 =	seq.s32 s23, $0x180;
	_ =	sdelay $0x1  }
0x7e: {  	v4 =	vmov s22;
	s22 =	smov.u32 s23  }
0x7f: {  	v4 =	vshll.u32 v4, $0x7  }
0x80: {  	v4 =	vor.u32 v1, v4;
	v5 =	vand.u32 $0xFFFFFF80, v3  }
0x81: {  	v3 =	vand.u32 $0x7F, v3;
	v4 =	vadd.s32 v4, v5  }
0x82: {  	v3 =	vor.u32 v3, v4;
	_ =	sdelay $0x1  }
.Ltmp5:
0x83: {  	(pc) =	sbr.rel @!p0 .LBB2_13-.Ltmp5, $3  }
0x84: {  	_ =	sdelay $0x1  }
0x85: {  	s24 =	sadd.s32 $0x10, s24;
	[tilespmem:v3+s13+$0x0] =	vst.idx.msk $0xffff, v0  }
0x86: {  	s23 =	sadd.s32 $0x10, s23;
	v3 =	vld [tilespmem:s24+$0x0]  }
0x87: {  	_ =	sdelay $0x1  }
0x88: {  	v4 =	vmov s22  }
0x89: {  	v4 =	vshll.u32 v4, $0x7  }
0x8a: {  	v4 =	vor.u32 v1, v4;
	v5 =	vand.u32 $0xFFFFFF80, v3  }
0x8b: {  	v3 =	vand.u32 $0x7F, v3;
	v4 =	vadd.s32 v4, v5  }
0x8c: {  	v3 =	vor.u32 v3, v4;
	_ =	sdelay $0x4  }
0x8d: {  	s22 =	sshllo.u32 s17, $0x1;
	[tilespmem:v3+s13+$0x0] =	vst.idx.msk $0xffff, v0  }
0x8e: {  	s23 =	simm.s32 $0x0;
	s24 =	simm.s32 $0x10;
	s25 =	smov.u32 s21;
	v3 =	vld [tilespmem:s21+$0x0]  }
.LBB2_15:
0x8f: {  	p0 =	sne.s32 s24, $0x180;
	_ =	sdelay $0x1  }
0x90: {  	v4 =	vmov s23;
	s23 =	smov.u32 s24  }
0x91: {  	v4 =	vshll.u32 v4, $0x7  }
0x92: {  	v4 =	vor.u32 v1, v4;
	v5 =	vand.u32 $0xFFFFFF80, v3  }
0x93: {  	v3 =	vand.u32 $0x7F, v3;
	v4 =	vadd.s32 v4, v5  }
0x94: {  	v3 =	vor.u32 v3, v4;
	_ =	sdelay $0x1  }
.Ltmp6:
0x95: {  	(pc) =	sbr.rel @p0 .LBB2_15-.Ltmp6, $3  }
0x96: {  	_ =	sdelay $0x1  }
0x97: {  	s25 =	sadd.s32 $0x10, s25;
	[tilespmem:v3+s13+$0x0] =	vst.idx.msk $0xffff, v2  }
0x98: {  	s24 =	sadd.s32 $0x10, s24;
	v3 =	vld [tilespmem:s25+$0x0]  }
0x99: {  	_ =	sdelay $0x1  }
0x9a: {  	v4 =	vmov s23  }
0x9b: {  	v4 =	vshll.u32 v4, $0x7  }
0x9c: {  	v4 =	vor.u32 v1, v4;
	v5 =	vand.u32 $0xFFFFFF80, v3  }
0x9d: {  	v3 =	vand.u32 $0x7F, v3;
	v4 =	vadd.s32 v4, v5  }
0x9e: {  	s17 =	sadd.s32 $0x1, s17;
	v3 =	vor.u32 v3, v4  }
0x9f: {  	s22 =	sshll.u32 s22, $0x3;
	p0 =	sne.s32 s17, $0x20  }
.Ltmp7:
0xa0: {  	s22 =	sadd.s32 s5, s22;
	(pc) =	sbr.rel @p0 .LBB2_8-.Ltmp7, $4  }
0xa1: {  	s22 =	smul.u32 $0x380, s22  }
0xa2: {  	s18 =	sadd.s32 $0x320, s18;
	s19 =	sadd.s32 $0x320, s19  }
0xa3: {  	s20 =	sadd.s32 $0x320, s20;
	s21 =	sadd.s32 $0x320, s21;
	s22 =	sadd.s32 s3, s22;
	[tilespmem:v3+s13+$0x0] =	vst.idx.msk $0xffff, v2  }
0xa4: {  	[hbm4b:s22+s11] =	stream.strided.scatter [tilespmem:s13], [sflag:$0x2], $0xC800, s12, s11, $0x38;
	[tilespmem:$0x1F400] =	vst v63  }
0xa5: {  	s16 =	sadd.s32 $0x1, s16  }
0xa6: {  	_ =	swait.ge [sflag:s14], $0xC800;
	p0 =	sne.s32 s16, s8  }
.Ltmp8:
0xa7: {  	[sflag:s14] =	ssyncset.done $0x0;
	(pc) =	sbr.rel @p0 .LBB2_1-.Ltmp8, $4  }
0xa8: {  	[sflag:s14] =	ssyncadd.s32 $0xFFFF3800  }
0xa9: {  	_ =	swait.ge [sflag:s15], $0xC800  }
0xaa: {  	[sflag:s15] =	ssyncset.done $0x0  }
0xab: {  	[sflag:s15] =	ssyncadd.s32 $0xFFFF3800  }
0xac: {  	_ =	sfence.sel $0x180000  }
0xad: {  	[bflag:$0x0] =	sbarrier.arrive $0xFFFF  }
0xae: {  	p0 =	sne.s32 s0, $0x0;
	_ =	strace $0x90000047  }
0xaf: {  	s0 =	sadd.s32 @!p0 $0x100000, s1;
	[bflag:$0x2] =	sbarrier.arrive $0xFFFF  }
0xb0: {  	[sflag:s0] =	ssyncadd.tile.s32 @!p0 $0x1;
	_ =	shalt  }
.Lfunc_end2:
_tile_overlayer_lowered:
.L_overlay_start_2:
0xb1: {  	(tag) =	ssettag $0x2  }
0xb2: {  	s0 =	rddreg [dreg:$0x0];
	s2 =	stileid.u32  }
0xb3: {  	s1 =	rddreg [dreg:$0x1];
	p0 =	sne.s32 s2, $0x0  }
0xb4: {  	s3 =	rddreg [dreg:$0x2];
	[bflag:$0x3] =	sbarrier.arrive $0xFFFF;
	s2 =	simm.s32 @!p0 $0x1C03  }
0xb5: {  	[timem:s3], [sflag:s2] =	dma.local @!p0 [hbm:s0], s1  }
0xb6: {  	s0 =	simm.s32 @!p0 $0x3  }
0xb7: {  	_ =	swait.ge @!p0 [sflag:s0], s1  }
0xb8: {  	s1 =	ssub.s32 @!p0 $0x0, s1;
	[sflag:s0] =	ssyncset.done @!p0 $0x0  }
0xb9: {  	[sflag:s0] =	ssyncadd.s32 @!p0 s1  }
0xba: {  	[bflag:$0x3] =	sbarrier.arrive $0xFFFF  }
0xbb: {  	_ =	shalt  }

</sc_bundles>
